<compile_context>
chip_gen: v7x
topology: tpu7x:2x2x1
jax: 0.10.2.dev20260603
libtpu: 0.0.44.dev20260713+nightly
codegen_flags: <defaults>
</compile_context>

<pallas_src>
import functools

import jax
import jax.numpy as jnp
from jax import lax
from jax.experimental import pallas as pl
from jax.experimental.pallas import tpu as pltpu
from jax.experimental.pallas import tpu_sc as plsc

NUM_POS = 17
EMB = 10
ROWS = 16384
SEQ = 200
TOK = ROWS * SEQ

NC = 2
NS = 16
NW = NC * NS
TOK_PER_W = TOK // NW
CHUNK = 4096
ROUNDS = TOK_PER_W // CHUNK
GROUPS = CHUNK // 16

_mesh = plsc.VectorSubcoreMesh(core_axis_name="c", subcore_axis_name="s",
                               num_cores=NC, num_subcores=NS)


@functools.partial(
    pl.kernel,
    out_type=jax.ShapeDtypeStruct((TOK * EMB,), jnp.float32),
    mesh=_mesh,
    scratch_types=[
        pltpu.VMEM((NUM_POS * EMB,), jnp.float32),
        pltpu.VMEM((CHUNK,), jnp.int32),
        pltpu.VMEM((CHUNK * EMB,), jnp.float32),
    ],
    compiler_params=pltpu.CompilerParams(needs_layout_passes=False),
)
def _emb_kernel(idx_hbm, table_hbm, out_hbm, table_v, idx_v, out_v):
    wid = lax.axis_index("s") * NC + lax.axis_index("c")
    base = wid * TOK_PER_W

    pltpu.sync_copy(table_hbm, table_v)

    lane10 = lax.iota(jnp.int32, 16) * EMB

    def round_body(r, _):
        tok0 = base + r * CHUNK
        pltpu.sync_copy(idx_hbm.at[pl.ds(tok0, CHUNK)], idx_v)

        def group_body(g, _):
            g16 = g * 16
            rows10 = idx_v[pl.ds(g16, 16)] * EMB
            dst10 = g16 * EMB + lane10
            for d in range(EMB):
                vals = plsc.load_gather(table_v, [rows10 + d])
                plsc.store_scatter(out_v, [dst10 + d], vals)
            return 0

        lax.fori_loop(0, GROUPS, group_body, 0, unroll=False)
        pltpu.sync_copy(out_v, out_hbm.at[pl.ds(tok0 * EMB, CHUNK * EMB)])
        return 0

    lax.fori_loop(0, ROUNDS, round_body, 0, unroll=False)


def kernel(indices, table):
    idx_flat = indices.reshape(TOK).astype(jnp.int32)
    out = _emb_kernel(idx_flat, table.reshape(NUM_POS * EMB))
    return out.reshape(ROWS, SEQ, EMB)

# --- scband reference (transcript-rebuilt; emitter-appended) ---
"""Pipeline reference for scband-posembedding-32787780338121 (READ-ONLY COPY).

The authoritative reference and input builder live on the scoring server;
editing this copy changes nothing except your own understanding.
"""

import jax, jax.numpy as jnp
import numpy as np

NUM_POS = 17  # universal POS tagset size (get_universal_POS)
EMB_DIM = 10


def setup_inputs(seed: int = 0) -> dict:
    key = jax.random.key(seed)
    k1, k2 = jax.random.split(key)
    # Original forward takes a List[str] of POS tags and maps them to int ids
    # via pos_map; we model the post-mapping integer ids directly.
    indices = jax.random.randint(k1, (16384, 200), 0, NUM_POS, dtype=jnp.int64 if jax.config.jax_enable_x64 else jnp.int32)
    # Embedding table, randomly initialized like keras Embedding (uniform)
    table = jax.random.uniform(k2, (NUM_POS, EMB_DIM), dtype=jnp.float32, minval=-0.05, maxval=0.05)
    return {"indices": indices, "table": table}


def reference(indices, table):
    # POS_emb(mapped_inputs): plain embedding lookup
    return jnp.take(table, indices, axis=0)

if __name__ == "__main__":
    import jax
    _d = setup_inputs()
    print(jax.jit(kernel)(*tuple(_d.values())))

</pallas_src>

<mosaic_0001>
#map = affine_map<(d0, d1) -> (0)>
module attributes {stable_mosaic.version = 14 : i64} {
  func.func @_emb_kernel(%arg0: i32, %arg1: i32, %arg2: memref<3276800xi32, #tpu.memory_space<hbm>>, %arg3: memref<170xf32, #tpu.memory_space<hbm>>, %arg4: memref<32768000xf32, #tpu.memory_space<hbm>>, %arg5: memref<170xf32, #tpu.memory_space<vmem>>, %arg6: memref<4096xi32, #tpu.memory_space<vmem>>, %arg7: memref<40960xf32, #tpu.memory_space<vmem>>) attributes {dimension_semantics = [#tpu.dimension_semantics<core_parallel>, #tpu.dimension_semantics<subcore_parallel>], iteration_bounds = array<i64: 2, 16>, scalar_prefetch = 0 : i64, scratch_operands = 3 : i64, tpu.core_type = #tpu.core_type<sc_vector_subcore>, window_params = [{transform_indices = #map}, {transform_indices = #map}, {transform_indices = #map}]} {
    %mul3A = arith.constant 2 : i32
    %mul3A_0 = arith.muli %arg1, %mul3A : i32
    %add3A = arith.addi %mul3A_0, %arg0 : i32
    %mul3A_1 = arith.constant 102400 : i32
    %mul3A_2 = arith.muli %add3A, %mul3A_1 : i32
    "tpu.region"() ({
      %run_scoped3A = tpu.sem_alloc : memref<!tpu.dma_semaphore, #tpu.memory_space<semaphore_mem>>
      tpu.enqueue_dma source(%arg3 : memref<170xf32, #tpu.memory_space<hbm>>) target(%arg5 : memref<170xf32, #tpu.memory_space<vmem>>) target_semaphore(%run_scoped3A : memref<!tpu.dma_semaphore, #tpu.memory_space<semaphore_mem>>)
      tpu.wait_dma2 semaphore(%run_scoped3A : memref<!tpu.dma_semaphore, #tpu.memory_space<semaphore_mem>>) src(%arg3 : memref<170xf32, #tpu.memory_space<hbm>>) dst(%arg5 : memref<170xf32, #tpu.memory_space<vmem>>)
      tpu.yield
    }) : () -> ()
    %iota3A = tpu.iota {dimensions = array<i32: 0>} : vector<16xi32>
    %mul3A_3 = arith.constant 10 : i32
    %mul3A_4 = vector.broadcast %mul3A_3 : i32 to vector<16xi32>
    %mul3A_5 = arith.muli %iota3A, %mul3A_4 : vector<16xi32>
    %scan3A = arith.constant 0 : i32
    %scan3A_6 = arith.constant 0 : i32
    %scan3A_7 = arith.constant 25 : i32
    %scan3A_8 = arith.addi %scan3A_6, %scan3A_7 : i32
    %scan3A_9 = arith.constant 1 : i32
    %scan3A_10 = scf.for %scan3A_12 = %scan3A_6 to %scan3A_8 step %scan3A_9 iter_args(%scan3A_13 = %scan3A) -> (i32)  : i32 {
      %mul3A_14 = arith.constant 4096 : i32
      %mul3A_15 = arith.muli %scan3A_12, %mul3A_14 : i32
      %add3A_16 = arith.addi %mul3A_2, %mul3A_15 : i32
      "tpu.region"() ({
        %run_scoped3A = tpu.sem_alloc : memref<!tpu.dma_semaphore, #tpu.memory_space<semaphore_mem>>
        %dma_start3A = tpu.memref_slice %arg2[%add3A_16] : memref<3276800xi32, #tpu.memory_space<hbm>> -> memref<4096xi32, #tpu.memory_space<hbm>>
        %dma_start3A_27 = tpu.memref_slice %arg2[%add3A_16] : memref<3276800xi32, #tpu.memory_space<hbm>> -> memref<4096xi32, #tpu.memory_space<hbm>>
        tpu.enqueue_dma source(%dma_start3A_27 : memref<4096xi32, #tpu.memory_space<hbm>>) target(%arg6 : memref<4096xi32, #tpu.memory_space<vmem>>) target_semaphore(%run_scoped3A : memref<!tpu.dma_semaphore, #tpu.memory_space<semaphore_mem>>)
        %dma_wait3A = tpu.memref_slice %arg2[%add3A_16] : memref<3276800xi32, #tpu.memory_space<hbm>> -> memref<4096xi32, #tpu.memory_space<hbm>>
        %dma_wait3A_28 = tpu.memref_slice %arg2[%add3A_16] : memref<3276800xi32, #tpu.memory_space<hbm>> -> memref<4096xi32, #tpu.memory_space<hbm>>
        tpu.wait_dma2 semaphore(%run_scoped3A : memref<!tpu.dma_semaphore, #tpu.memory_space<semaphore_mem>>) src(%dma_wait3A_28 : memref<4096xi32, #tpu.memory_space<hbm>>) dst(%arg6 : memref<4096xi32, #tpu.memory_space<vmem>>)
        tpu.yield
      }) : () -> ()
      %scan3A_17 = arith.constant 0 : i32
      %scan3A_18 = arith.constant 0 : i32
      %scan3A_19 = arith.constant 256 : i32
      %scan3A_20 = arith.addi %scan3A_18, %scan3A_19 : i32
      %scan3A_21 = arith.constant 1 : i32
      %scan3A_22 = scf.for %scan3A_27 = %scan3A_18 to %scan3A_20 step %scan3A_21 iter_args(%scan3A_28 = %scan3A_17) -> (i32)  : i32 {
        %mul3A_29 = arith.constant 16 : i32
        %mul3A_30 = arith.muli %scan3A_27, %mul3A_29 : i32
        %get3A = arith.index_cast %mul3A_30 : i32 to index
        %get3A_31 = tpu.vector_load %arg6[%get3A] {strides = array<i32>} : memref<4096xi32, #tpu.memory_space<vmem>>, vector<16xi32>,
        %mul3A_32 = arith.constant 10 : i32
        %mul3A_33 = vector.broadcast %mul3A_32 : i32 to vector<16xi32>
        %mul3A_34 = arith.muli %get3A_31, %mul3A_33 : vector<16xi32>
        %mul3A_35 = arith.constant 10 : i32
        %mul3A_36 = arith.muli %mul3A_30, %mul3A_35 : i32
        %add3A_37 = vector.broadcast %mul3A_36 : i32 to vector<16xi32>
        %add3A_38 = arith.addi %add3A_37, %mul3A_5 : vector<16xi32>
        %add3A_39 = arith.constant 0 : i32
        %add3A_40 = vector.broadcast %add3A_39 : i32 to vector<16xi32>
        %add3A_41 = arith.addi %mul3A_34, %add3A_40 : vector<16xi32>
        %gather3A = tpu.vector_load_idx %arg5[%add3A_41] : memref<170xf32, #tpu.memory_space<vmem>>[vector<16xi32>], vector<16xf32>,
        %add3A_42 = arith.constant 0 : i32
        %add3A_43 = vector.broadcast %add3A_42 : i32 to vector<16xi32>
        %add3A_44 = arith.addi %add3A_38, %add3A_43 : vector<16xi32>
        tpu.vector_store_idx %arg7[%add3A_44], %gather3A : memref<40960xf32, #tpu.memory_space<vmem>>[vector<16xi32>], vector<16xf32>,
        %add3A_45 = arith.constant 1 : i32
        %add3A_46 = vector.broadcast %add3A_45 : i32 to vector<16xi32>
        %add3A_47 = arith.addi %mul3A_34, %add3A_46 : vector<16xi32>
        %gather3A_48 = tpu.vector_load_idx %arg5[%add3A_47] : memref<170xf32, #tpu.memory_space<vmem>>[vector<16xi32>], vector<16xf32>,
        %add3A_49 = arith.constant 1 : i32
        %add3A_50 = vector.broadcast %add3A_49 : i32 to vector<16xi32>
        %add3A_51 = arith.addi %add3A_38, %add3A_50 : vector<16xi32>
        tpu.vector_store_idx %arg7[%add3A_51], %gather3A_48 : memref<40960xf32, #tpu.memory_space<vmem>>[vector<16xi32>], vector<16xf32>,
        %add3A_52 = arith.constant 2 : i32
        %add3A_53 = vector.broadcast %add3A_52 : i32 to vector<16xi32>
        %add3A_54 = arith.addi %mul3A_34, %add3A_53 : vector<16xi32>
        %gather3A_55 = tpu.vector_load_idx %arg5[%add3A_54] : memref<170xf32, #tpu.memory_space<vmem>>[vector<16xi32>], vector<16xf32>,
        %add3A_56 = arith.constant 2 : i32
        %add3A_57 = vector.broadcast %add3A_56 : i32 to vector<16xi32>
        %add3A_58 = arith.addi %add3A_38, %add3A_57 : vector<16xi32>
        tpu.vector_store_idx %arg7[%add3A_58], %gather3A_55 : memref<40960xf32, #tpu.memory_space<vmem>>[vector<16xi32>], vector<16xf32>,
        %add3A_59 = arith.constant 3 : i32
        %add3A_60 = vector.broadcast %add3A_59 : i32 to vector<16xi32>
        %add3A_61 = arith.addi %mul3A_34, %add3A_60 : vector<16xi32>
        %gather3A_62 = tpu.vector_load_idx %arg5[%add3A_61] : memref<170xf32, #tpu.memory_space<vmem>>[vector<16xi32>], vector<16xf32>,
        %add3A_63 = arith.constant 3 : i32
        %add3A_64 = vector.broadcast %add3A_63 : i32 to vector<16xi32>
        %add3A_65 = arith.addi %add3A_38, %add3A_64 : vector<16xi32>
        tpu.vector_store_idx %arg7[%add3A_65], %gather3A_62 : memref<40960xf32, #tpu.memory_space<vmem>>[vector<16xi32>], vector<16xf32>,
        %add3A_66 = arith.constant 4 : i32
        %add3A_67 = vector.broadcast %add3A_66 : i32 to vector<16xi32>
        %add3A_68 = arith.addi %mul3A_34, %add3A_67 : vector<16xi32>
        %gather3A_69 = tpu.vector_load_idx %arg5[%add3A_68] : memref<170xf32, #tpu.memory_space<vmem>>[vector<16xi32>], vector<16xf32>,
        %add3A_70 = arith.constant 4 : i32
        %add3A_71 = vector.broadcast %add3A_70 : i32 to vector<16xi32>
        %add3A_72 = arith.addi %add3A_38, %add3A_71 : vector<16xi32>
        tpu.vector_store_idx %arg7[%add3A_72], %gather3A_69 : memref<40960xf32, #tpu.memory_space<vmem>>[vector<16xi32>], vector<16xf32>,
        %add3A_73 = arith.constant 5 : i32
        %add3A_74 = vector.broadcast %add3A_73 : i32 to vector<16xi32>
        %add3A_75 = arith.addi %mul3A_34, %add3A_74 : vector<16xi32>
        %gather3A_76 = tpu.vector_load_idx %arg5[%add3A_75] : memref<170xf32, #tpu.memory_space<vmem>>[vector<16xi32>], vector<16xf32>,
        %add3A_77 = arith.constant 5 : i32
        %add3A_78 = vector.broadcast %add3A_77 : i32 to vector<16xi32>
        %add3A_79 = arith.addi %add3A_38, %add3A_78 : vector<16xi32>
        tpu.vector_store_idx %arg7[%add3A_79], %gather3A_76 : memref<40960xf32, #tpu.memory_space<vmem>>[vector<16xi32>], vector<16xf32>,
        %add3A_80 = arith.constant 6 : i32
        %add3A_81 = vector.broadcast %add3A_80 : i32 to vector<16xi32>
        %add3A_82 = arith.addi %mul3A_34, %add3A_81 : vector<16xi32>
        %gather3A_83 = tpu.vector_load_idx %arg5[%add3A_82] : memref<170xf32, #tpu.memory_space<vmem>>[vector<16xi32>], vector<16xf32>,
        %add3A_84 = arith.constant 6 : i32
        %add3A_85 = vector.broadcast %add3A_84 : i32 to vector<16xi32>
        %add3A_86 = arith.addi %add3A_38, %add3A_85 : vector<16xi32>
        tpu.vector_store_idx %arg7[%add3A_86], %gather3A_83 : memref<40960xf32, #tpu.memory_space<vmem>>[vector<16xi32>], vector<16xf32>,
        %add3A_87 = arith.constant 7 : i32
        %add3A_88 = vector.broadcast %add3A_87 : i32 to vector<16xi32>
        %add3A_89 = arith.addi %mul3A_34, %add3A_88 : vector<16xi32>
        %gather3A_90 = tpu.vector_load_idx %arg5[%add3A_89] : memref<170xf32, #tpu.memory_space<vmem>>[vector<16xi32>], vector<16xf32>,
        %add3A_91 = arith.constant 7 : i32
        %add3A_92 = vector.broadcast %add3A_91 : i32 to vector<16xi32>
        %add3A_93 = arith.addi %add3A_38, %add3A_92 : vector<16xi32>
        tpu.vector_store_idx %arg7[%add3A_93], %gather3A_90 : memref<40960xf32, #tpu.memory_space<vmem>>[vector<16xi32>], vector<16xf32>,
        %add3A_94 = arith.constant 8 : i32
        %add3A_95 = vector.broadcast %add3A_94 : i32 to vector<16xi32>
        %add3A_96 = arith.addi %mul3A_34, %add3A_95 : vector<16xi32>
        %gather3A_97 = tpu.vector_load_idx %arg5[%add3A_96] : memref<170xf32, #tpu.memory_space<vmem>>[vector<16xi32>], vector<16xf32>,
        %add3A_98 = arith.constant 8 : i32
        %add3A_99 = vector.broadcast %add3A_98 : i32 to vector<16xi32>
        %add3A_100 = arith.addi %add3A_38, %add3A_99 : vector<16xi32>
        tpu.vector_store_idx %arg7[%add3A_100], %gather3A_97 : memref<40960xf32, #tpu.memory_space<vmem>>[vector<16xi32>], vector<16xf32>,
        %add3A_101 = arith.constant 9 : i32
        %add3A_102 = vector.broadcast %add3A_101 : i32 to vector<16xi32>
        %add3A_103 = arith.addi %mul3A_34, %add3A_102 : vector<16xi32>
        %gather3A_104 = tpu.vector_load_idx %arg5[%add3A_103] : memref<170xf32, #tpu.memory_space<vmem>>[vector<16xi32>], vector<16xf32>,
        %add3A_105 = arith.constant 9 : i32
        %add3A_106 = vector.broadcast %add3A_105 : i32 to vector<16xi32>
        %add3A_107 = arith.addi %add3A_38, %add3A_106 : vector<16xi32>
        tpu.vector_store_idx %arg7[%add3A_107], %gather3A_104 : memref<40960xf32, #tpu.memory_space<vmem>>[vector<16xi32>], vector<16xf32>,
        %scan3A_108 = arith.constant 0 : i32
        scf.yield %scan3A_108 : i32
      }
      %scan3A_23 = arith.constant 256 : i32
      %mul3A_24 = arith.constant 10 : i32
      %mul3A_25 = arith.muli %add3A_16, %mul3A_24 : i32
      "tpu.region"() ({
        %run_scoped3A = tpu.sem_alloc : memref<!tpu.dma_semaphore, #tpu.memory_space<semaphore_mem>>
        %dma_start3A = tpu.memref_slice %arg4[%mul3A_25] : memref<32768000xf32, #tpu.memory_space<hbm>> -> memref<40960xf32, #tpu.memory_space<hbm>>
        %dma_start3A_27 = tpu.memref_slice %arg4[%mul3A_25] : memref<32768000xf32, #tpu.memory_space<hbm>> -> memref<40960xf32, #tpu.memory_space<hbm>>
        tpu.enqueue_dma source(%arg7 : memref<40960xf32, #tpu.memory_space<vmem>>) target(%dma_start3A_27 : memref<40960xf32, #tpu.memory_space<hbm>>) target_semaphore(%run_scoped3A : memref<!tpu.dma_semaphore, #tpu.memory_space<semaphore_mem>>)
        %dma_wait3A = tpu.memref_slice %arg4[%mul3A_25] : memref<32768000xf32, #tpu.memory_space<hbm>> -> memref<40960xf32, #tpu.memory_space<hbm>>
        %dma_wait3A_28 = tpu.memref_slice %arg4[%mul3A_25] : memref<32768000xf32, #tpu.memory_space<hbm>> -> memref<40960xf32, #tpu.memory_space<hbm>>
        tpu.wait_dma2 semaphore(%run_scoped3A : memref<!tpu.dma_semaphore, #tpu.memory_space<semaphore_mem>>) src(%arg7 : memref<40960xf32, #tpu.memory_space<vmem>>) dst(%dma_wait3A_28 : memref<40960xf32, #tpu.memory_space<hbm>>)
        tpu.yield
      }) : () -> ()
      %scan3A_26 = arith.constant 0 : i32
      scf.yield %scan3A_26 : i32
    }
    %scan3A_11 = arith.constant 25 : i32
    return
  }
}

</mosaic_0001>

<sc_bundles>
// kernel: kernel.3.cloned.1.call-start
scs
__scs_entry_jumppad:
0x0: {  	(pc) =	sbr.rel $0x88, $3  }
0x1: {  	(tag) =	ssettag $0x0;
	lr =	simm.s32 $0x1  }
0x2: {  	[smem:$0x3F9F] =	sst lr;
	_ =	strace $0xD0000000  }
0x3: {  	_ = 	snop  }
0x4: {  	_ = 	snop  }
0x5: {  	_ = 	snop  }
0x6: {  	_ = 	snop  }
0x7: {  	_ = 	snop  }
__scs_overlays_trampoline_lowered:
0x8: {  	[smem:$0x3FAE] =	sst s0  }
0x9: {  	[smem:$0x3FAF] =	sst s1  }
0xa: {  	[smem:$0x3FB0] =	sst s2  }
0xb: {  	[smem:$0x3FB1] =	sst s3  }
0xc: {  	[smem:$0x3FB2] =	sst s4  }
0xd: {  	[smem:$0x3FB3] =	sst s5  }
0xe: {  	[smem:$0x3FB4] =	sst s6  }
0xf: {  	[smem:$0x3FB5] =	sst s7  }
0x10: {  	[smem:$0x3FB6] =	sst s8  }
0x11: {  	[smem:$0x3FB7] =	sst s9;
	s0 =	simm.s32 @!p0 $0x0  }
0x12: {  	s1 =	sld [smem:$0x3F9D];
	s0 =	simm.s32 @p0 $0x1  }
0x13: {  	[smem:$0x3FB8] =	sst s0;
	s0 =	simm.s32 @!p1 $0x0  }
0x14: {  	s2 =	sld [smem:$0x3F9C];
	s0 =	simm.s32 @p1 $0x1  }
0x15: {  	[smem:$0x3FB9] =	sst s0;
	s0 =	simm.s32 @!p2 $0x0  }
0x16: {  	s3 =	sld [smem:$0x3FDB];
	s0 =	simm.s32 @p2 $0x1  }
0x17: {  	s4 =	simm.s32 $0x1BF5;
	[smem:$0x3FBB] =	sst s0  }
0x18: {  	s0 =	sld [smem:$0x3F9E];
	_ =	swait.ge [sflag:s4], $0x0  }
0x19: {  	s7 =	sld [smem:$0x3F9F]  }
0x1a: {  	s8 =	sadd.s32 $0xFFFFE003, lr  }
0x1b: {  	s9 =	sadd.s32 $0xFFFFFEF7, lr;
	s5 =	simm.s32 $0xFFFFFFFF;
	p2 =	slt.u32 s8, $0xFFFFF086  }
0x1c: {  	p1 =	slt.u32 s9, $0xF7A;
	s5 =	simm.s32 @!p2 $0x0  }
0x1d: {  	s5 =	simm.s32 @p1 $0x1;
	p0 =	seq.s32 s7, s2  }
0x1e: {  	s7 =	smul.u32 @!p0 $0xF7A, s2;
	p2 =	seq.s32 @!p0 s5, $0x0  }
0x1f: {  	s9 =	smul.u32 $0xF7A, s1;
	s8 =	simm.s32 @!p0 $0x1BF5;
	p2 =	por !p2, p0  }
0x20: {  	[sflag:s8] =	ssyncset.s32 @!p0 $0xFFFFF086;
	s6 =	sadd.s32 @!p0 s3, s7;
	s7 =	simm.s32 @!p0 $0x108  }
0x21: {  	s3 =	sadd.s32 s3, s9;
	s6 =	sadd.s32 @!p0 $0x88, s6;
	s7 =	simm.s32 @p2 $0x1082  }
0x22: {  	[simem:s7], [sflag:s8] =	dma.local @!p0 [hbm:s6], $0xF7A  }
0x23: {  	s9 =	sor.u32 $0xD0000000, s2;
	s6 =	simm.s32 $0x108;
	_ =	swait.ge @!p0 [sflag:s8], $0x0  }
0x24: {  	s3 =	sadd.s32 $0x88, s3;
	s6 =	simm.s32 @!p1 $0x1082;
	[sflag:s4] =	ssyncset.s32 $0xFFFFF086  }
0x25: {  	[simem:s6], [sflag:s4] =	dma.local [hbm:s3], $0xF7A  }
0x26: {  	[smem:$0x3F9F] =	sst s1;
	(tag) =	ssettag s2;
	_ =	strace s9  }
0x27: {  	s1 =	sld [smem:$0x3FAF]  }
0x28: {  	s2 =	sld [smem:$0x3FB0]  }
0x29: {  	s4 =	sld [smem:$0x3FB2]  }
0x2a: {  	p0 =	seq.s32 s5, $0x0;
	s5 =	sld [smem:$0x3FB3]  }
0x2b: {  	s6 =	sld [smem:$0x3FB4]  }
0x2c: {  	s7 =	sld [smem:$0x3FB5]  }
0x2d: {  	s3 =	simm.s32 $0x108;
	s8 =	sld [smem:$0x3FB6]  }
0x2e: {  	s3 =	simm.s32 @!p0 $0x1082;
	s9 =	sld [smem:$0x3FB7]  }
0x2f: {  	lr =	sadd.s32 s0, s3;
	s0 =	sld [smem:$0x3FAE]  }
0x30: {  	s3 =	sld [smem:$0x3FB1]  }
0x31: {  	[smem:$0x3FBA] =	sst s10  }
0x32: {  	s10 =	sld [smem:$0x3FB8];
	_ =	sdelay $0x3  }
0x33: {  	p0 =	seq.s32 s10, $0x1;
	s10 =	sld [smem:$0x3FBA];
	_ =	sdelay $0x3  }
0x34: {  	[smem:$0x3FBA] =	sst s10  }
0x35: {  	s10 =	sld [smem:$0x3FB9];
	_ =	sdelay $0x3  }
0x36: {  	p1 =	seq.s32 s10, $0x1;
	s10 =	sld [smem:$0x3FBA];
	_ =	sdelay $0x3  }
0x37: {  	[smem:$0x3FBA] =	sst s10  }
0x38: {  	s10 =	sld [smem:$0x3FBB]  }
0x39: {  	_ = 	snop;
	(pc) =	sbr.ind lr, $3  }
0x3a: {  	_ = 	snop  }
0x3b: {  	_ = 	snop  }
0x3c: {  	p2 =	seq.s32 s10, $0x1;
	s10 =	sld [smem:$0x3FBA]  }
0x3d: {  	_ =	shalt  }
0x3e: {  	_ =	shalt  }
0x3f: {  	_ =	shalt  }
0x40: {  	_ =	shalt  }
0x41: {  	_ =	shalt  }
0x42: {  	_ =	shalt  }
0x43: {  	_ =	shalt  }
0x44: {  	_ =	shalt  }
0x45: {  	_ =	shalt  }
0x46: {  	_ =	shalt  }
0x47: {  	_ =	shalt  }
0x48: {  	_ =	shalt  }
0x49: {  	_ =	shalt  }
0x4a: {  	_ =	shalt  }
0x4b: {  	_ =	shalt  }
0x4c: {  	_ =	shalt  }
0x4d: {  	_ =	shalt  }
0x4e: {  	_ =	shalt  }
0x4f: {  	_ =	shalt  }
0x50: {  	_ =	shalt  }
0x51: {  	_ =	shalt  }
0x52: {  	_ =	shalt  }
0x53: {  	_ =	shalt  }
0x54: {  	_ =	shalt  }
0x55: {  	_ =	shalt  }
0x56: {  	_ =	shalt  }
0x57: {  	_ =	shalt  }
0x58: {  	_ =	shalt  }
0x59: {  	_ =	shalt  }
0x5a: {  	_ =	shalt  }
0x5b: {  	_ =	shalt  }
0x5c: {  	_ =	shalt  }
0x5d: {  	_ =	shalt  }
0x5e: {  	_ =	shalt  }
0x5f: {  	_ =	shalt  }
0x60: {  	_ =	shalt  }
0x61: {  	_ =	shalt  }
0x62: {  	_ =	shalt  }
0x63: {  	_ =	shalt  }
0x64: {  	_ =	shalt  }
0x65: {  	_ =	shalt  }
0x66: {  	_ =	shalt  }
0x67: {  	_ =	shalt  }
0x68: {  	_ =	shalt  }
0x69: {  	_ =	shalt  }
0x6a: {  	_ =	shalt  }
0x6b: {  	_ =	shalt  }
0x6c: {  	_ =	shalt  }
0x6d: {  	_ =	shalt  }
0x6e: {  	_ =	shalt  }
0x6f: {  	_ =	shalt  }
0x70: {  	_ =	shalt  }
0x71: {  	_ =	shalt  }
0x72: {  	_ =	shalt  }
0x73: {  	_ =	shalt  }
0x74: {  	_ =	shalt  }
0x75: {  	_ =	shalt  }
0x76: {  	_ =	shalt  }
0x77: {  	_ =	shalt  }
0x78: {  	_ =	shalt  }
0x79: {  	_ =	shalt  }
0x7a: {  	_ =	shalt  }
0x7b: {  	_ =	shalt  }
0x7c: {  	_ =	shalt  }
0x7d: {  	_ =	shalt  }
0x7e: {  	_ =	shalt  }
0x7f: {  	_ =	shalt  }
0x80: {  	_ =	shalt  }
0x81: {  	_ =	shalt  }
0x82: {  	_ =	shalt  }
0x83: {  	_ =	shalt  }
0x84: {  	_ =	shalt  }
0x85: {  	_ =	shalt  }
0x86: {  	_ =	shalt  }
0x87: {  	_ =	shalt  }
.Lfunc_end0:
.L_simem_size_0:
called_computation.1_lowered:
.L_overlay_start_0:
0x88: {  	s2 =	sld [smem:$0x3FD9]  }
0x89: {  	s3 =	sld [smem:$0x3FFE];
	_ =	sdelay $0x1  }
0x8a: {  	s1 =	srdreg.scid  }
0x8b: {  	s0 =	sand.u32 $0x1, s1  }
0x8c: {  	s17 =	sshll.u32 s0, $0xA;
	s2 =	sadd.s32 s3, s2  }
0x8d: {  	s2 =	sadd.s32 s2, s17  }
0x8e: {  	[smem:$0x3FC6] =	sst s2  }
0x8f: {  	_ = 	snop  }
0x90: {  	s2 =	sld [smem:$0x3FD0];
	(tm) =	ssettm $0x1  }
0x91: {  	s18 =	sld [smem:$0x3FFB];
	_ =	sdelay $0x3  }
0x92: {  	_ =	strace s18  }
0x93: {  	s3 =	sld [smem:$0x3FFC];
	_ =	sdelay $0x3  }
0x94: {  	_ =	strace s3  }
0x95: {  	s3 =	sld [smem:$0x3FFD];
	_ =	sdelay $0x3  }
0x96: {  	_ =	strace s3  }
0x97: {  	_ =	strace $0x8FFFFFFF  }
0x98: {  	s19 =	sld [smem:$0x3FDB];
	_ =	sdelay $0x1  }
0x99: {  	s4 =	simm.s32 $_scs_section_size  }
0x9a: {  	s5 =	simm.s32 $_size__tile_overlayer_lowered;
	s6 =	simm.s32 $_tile_overlayer_lowered  }
0x9b: {  	s22 =	simm.s32 $0x1BFF;
	s21 =	sshll.u32 s6, $0x1;
	s3 =	sadd.s32 s4, s19  }
0x9c: {  	s7 =	simm.s32 $0x0;
	s20 =	sshll.u32 s5, $0x1;
	s5 =	sadd.s32 s21, s3  }
0x9d: {  	[timem:s7], [sflag:s22] =	dma.local [hbm:s5], s20  }
0x9e: {  	_ =	swait.ge [sflag:s22], s20  }
0x9f: {  	s4 =	ssub.s32 $0x0, s20;
	[sflag:s22] =	ssyncset.done $0x0  }
0xa0: {  	[sflag:s22] =	ssyncadd.s32 s4;
	_ =	sdelay $0x1  }
0xa1: {  	s23 =	simm.s32 $0x1B8B  }
0xa2: {  	_ =	swait.ge [sflag:s23], $0x1  }
0xa3: {  	[sflag:s23] =	ssyncset.done $0x0  }
0xa4: {  	s25 =	simm.s32 $0x1B8E;
	s24 =	sld [smem:$0x3FFE];
	[sflag:s23] =	ssyncadd.s32 $0xFFFFFFFF  }
0xa5: {  	s26 =	simm.s32 $execute0_lowered;
	[smem:$0x3FD2] =	sst s25  }
0xa6: {  	s5 =	sshll.u32 s26, $0x1;
	_ =	strace $0x80000046;
	[dreg:$0x1] =	wrdreg $0xFFFFFFFF  }
0xa7: {  	s28 =	simm.s32 $_size_execute0_lowered;
	s3 =	sadd.s32 s3, s5;
	[dreg:$0x0] =	wrdreg $0x0  }
0xa8: {  	s5 =	sshll.u32 s28, $0x1;
	[dreg:$0x2] =	wrdreg s3  }
0xa9: {  	[dreg:$0x3] =	wrdreg s5  }
0xaa: {  	[dreg:$0x4] =	wrdreg $0xC0  }
0xab: {  	_ =	task [dreg:s7], $0x5FFFF  }
0xac: {  	[dreg:$0x1] =	wrdreg $0xFFFFFFFF  }
0xad: {  	[dreg:$0x0] =	wrdreg $0x60  }
0xae: {  	[dreg:$0x2] =	wrdreg s24  }
0xaf: {  	[dreg:$0x3] =	wrdreg s2  }
0xb0: {  	[dreg:$0x4] =	wrdreg $0x9  }
0xb1: {  	_ =	task.clear_ibuf [dreg:s7], $0x5FFFF;
	_ =	strace $0x90000046  }
0xb2: {  	s29 =	simm.s32 $0x9;
	_ =	strace $0x80000048  }
0xb3: {  	_ =	swait.ge [sflag:s29], $0x1  }
0xb4: {  	[sflag:s29] =	ssyncadd.s32 $0xFFFFFFFF  }
0xb5: {  	_ =	strace $0x90000048  }
0xb6: {  	_ =	sfence  }
0xb7: {  	s30 =	sld [smem:$0x0];
	_ =	sdelay $0x2  }
0xb8: {  	s31 =	sshll.u32 s1, $0xD;
	s1 =	sshrl.u32 s1, $0x2  }
0xb9: {  	s3 =	sand.u32 $0x4000, s31;
	s1 =	sadd.s32 s1, s30  }
0xba: {  	s0 =	sor.u32 s3, s0;
	s1 =	sshll.u32 s1, $0x11  }
0xbb: {  	s0 =	sor.u32 s1, s0  }
0xbc: {  	s0 =	sadd.s32 $0x8F2B, s0  }
0xbd: {  	[sflag:s0] =	ssyncadd.remote.s32 $0x1  }
0xbe: {  	_ =	sfence.sel $0xFFFF  }
0xbf: {  	[dreg:$0x0] =	wrdreg $0xFFFFFFFF;
	(pc) =	sbr.abs _section_cstart, $3  }
0xc0: {  	[dreg:$0x1] =	wrdreg $0xFFFFFFFF  }
0xc1: {  	_ =	task.clear_ibuf [dreg:s7], $0x2FFFF;
	_ =	strace $0x9FFFFFFF  }
0xc2: {  	(tm) =	ssettm $0x7FFFFFFF  }
0xc3: {  	_ =	shalt  }
tec
execute0_lowered:
.L_overlay_start_1:
0x0: {  	(tag) =	ssettag $0x1  }
0x1: {  	s5 =	rddreg [dreg:$0x0]  }
0x2: {  	s1 =	rddreg [dreg:$0x1];
	s2 =	srdreg.scid  }
0x3: {  	s0 =	rddreg [dreg:$0x2];
	s3 =	simm.s32 $0x0;
	v0 =	vlaneseq.u32;
	s10 =	simm.s32 $0x0  }
0x4: {  	s6 =	sand.u32 $0x1, s2;
	[smem:$0x7FF] =	sst s3;
	s2 =	stileid.u32;
	v0 =	vmul.u32 $0xA, v0  }
0x5: {  	s4 =	sadd.s32 $0xA00, s5;
	s5 =	sadd.s32 $0x800, s5;
	s7 =	ssub.s32 $0x2, s6  }
0x6: {  	_ =	strace $0x80000047;
	s9 =	sshll.u32 s2, $0x1;
	s8 =	sshrl.u32 s7, $0x1;
	v1 =	vor.u32 $0x1, v0;
	v2 =	vadd.s32 $0x2, v0;
	v3 =	vadd.s32 $0x3, v0  }
0x7: {  	s6 =	sor.u32 s6, s9;
	v4 =	vadd.s32 $0x4, v0;
	v5 =	vadd.s32 $0x5, v0;
	v6 =	vadd.s32 $0x6, v0;
	s9 =	simm.s32 $0x1100;
	s7 =	ssub.s32 s7, s8  }
0x8: {  	v7 =	vadd.s32 $0x7, v0;
	v8 =	vadd.s32 $0x8, v0;
	v9 =	vadd.s32 $0x9, v0;
	s6 =	smul.u32 $0x19000, s6;
	s8 =	simm.s32 $0x1;
	s7 =	smax.u32 s7, $0x1  }
.LBB2_1:
0x9: {  	[tilespmem:s3], [sflag:$0x1] =	stream.linear.gather [hbm4b:s5+s3], $0x100, $0x38;
	[tilespmem:$0xB100] =	vst v63  }
0xa: {  	_ =	swait.ge [sflag:s8], $0x100  }
0xb: {  	[sflag:s8] =	ssyncset.done $0x0  }
0xc: {  	s11 =	simm.s32 $0x0;
	[sflag:s8] =	ssyncadd.s32 $0xFFFFFF00  }
.LBB2_2:
0xd: {  	s12 =	sshll.u32 s11, $0xC  }
0xe: {  	s12 =	sadd.s32 s6, s12  }
0xf: {  	s13 =	sshrl.u32 s12, $0x3  }
0x10: {  	s15 =	simm.s32 $0x0;
	s14 =	sadd.s32 s4, s13;
	s13 =	simm.s32 $0x100  }
0x11: {  	[tilespmem:s13], [sflag:$0x1] =	stream.linear.gather [hbm4b:s14+s15], $0x1000, $0x38;
	[tilespmem:$0xB100] =	vst v63  }
0x12: {  	_ =	swait.ge [sflag:s8], $0x1000  }
0x13: {  	[sflag:s8] =	ssyncset.done $0x0  }
0x14: {  	[sflag:s8] =	ssyncadd.s32 $0xFFFFF000  }
0x15: {  	v10 =	vld [tilespmem:s13+$0x0];
	_ =	sdelay $0x4  }
0x16: {  	v10 =	vmul.u32 $0xA, v10;
	_ =	sdelay $0x5  }
0x17: {  	v12 =	vadd.s32 s15, v0;
	v11 =	vld.idx.msk [tilespmem:v10+s3+$0x0], $0xffff  }
0x18: {  	v13 =	vor.u32 $0x1, v10;
	_ =	sdelay $0x3  }
0x19: {  	[tilespmem:v12+s9+$0x0] =	vst.idx.msk $0xffff, v11  }
0x1a: {  	v49 =	vadd.s32 s15, v1;
	v11 =	vld.idx.msk [tilespmem:v13+s3+$0x0], $0xffff  }
0x1b: {  	v50 =	vadd.s32 $0x2, v10;
	_ =	sdelay $0x3  }
0x1c: {  	[tilespmem:v49+s9+$0x0] =	vst.idx.msk $0xffff, v11  }
0x1d: {  	v51 =	vadd.s32 s15, v2;
	v11 =	vld.idx.msk [tilespmem:v50+s3+$0x0], $0xffff  }
0x1e: {  	v52 =	vadd.s32 $0x3, v10;
	_ =	sdelay $0x3  }
0x1f: {  	[tilespmem:v51+s9+$0x0] =	vst.idx.msk $0xffff, v11  }
0x20: {  	v53 =	vadd.s32 s15, v3;
	v11 =	vld.idx.msk [tilespmem:v52+s3+$0x0], $0xffff  }
0x21: {  	v54 =	vadd.s32 $0x4, v10;
	_ =	sdelay $0x3  }
0x22: {  	[tilespmem:v53+s9+$0x0] =	vst.idx.msk $0xffff, v11  }
0x23: {  	v55 =	vadd.s32 s15, v4;
	v11 =	vld.idx.msk [tilespmem:v54+s3+$0x0], $0xffff  }
0x24: {  	v56 =	vadd.s32 $0x5, v10;
	_ =	sdelay $0x3  }
0x25: {  	[tilespmem:v55+s9+$0x0] =	vst.idx.msk $0xffff, v11  }
0x26: {  	v57 =	vadd.s32 s15, v5;
	v11 =	vld.idx.msk [tilespmem:v56+s3+$0x0], $0xffff  }
0x27: {  	v58 =	vadd.s32 $0x6, v10;
	_ =	sdelay $0x3  }
0x28: {  	[tilespmem:v57+s9+$0x0] =	vst.idx.msk $0xffff, v11  }
0x29: {  	v59 =	vadd.s32 s15, v6;
	v11 =	vld.idx.msk [tilespmem:v58+s3+$0x0], $0xffff  }
0x2a: {  	v60 =	vadd.s32 $0x7, v10;
	_ =	sdelay $0x3  }
0x2b: {  	[tilespmem:v59+s9+$0x0] =	vst.idx.msk $0xffff, v11  }
0x2c: {  	v61 =	vadd.s32 s15, v7;
	v11 =	vld.idx.msk [tilespmem:v60+s3+$0x0], $0xffff  }
0x2d: {  	v62 =	vadd.s32 $0x8, v10;
	_ =	sdelay $0x3  }
0x2e: {  	[tilespmem:v61+s9+$0x0] =	vst.idx.msk $0xffff, v11  }
0x2f: {  	v63 =	vadd.s32 s15, v8;
	v11 =	vld.idx.msk [tilespmem:v62+s3+$0x0], $0xffff  }
0x30: {  	v10 =	vadd.s32 $0x9, v10;
	_ =	sdelay $0x3  }
0x31: {  	[tilespmem:v63+s9+$0x0] =	vst.idx.msk $0xffff, v11  }
0x32: {  	s14 =	simm.s32 $0xA0;
	v11 =	vadd.s32 s15, v9;
	v10 =	vld.idx.msk [tilespmem:v10+s3+$0x0], $0xffff  }
.LBB2_3:
0x33: {  	_ =	sdelay $0x2  }
0x34: {  	p0 =	sne.s32 s14, $0x9F60  }
0x35: {  	s13 =	sadd.s32 $0x10, s13;
	s15 =	smov.u32 s14;
	s14 =	sadd.s32 $0xA0, s14;
	[tilespmem:v11+s9+$0x0] =	vst.idx.msk $0xffff, v10  }
0x36: {  	v10 =	vld [tilespmem:s13+$0x0];
	_ =	sdelay $0x4  }
0x37: {  	v10 =	vmul.u32 $0xA, v10;
	_ =	sdelay $0x5  }
0x38: {  	v11 =	vld.idx.msk [tilespmem:v10+s3+$0x0], $0xffff  }
0x39: {  	v12 =	vadd.s32 s15, v0  }
0x3a: {  	v13 =	vor.u32 $0x1, v10;
	_ =	sdelay $0x3  }
0x3b: {  	[tilespmem:v12+s9+$0x0] =	vst.idx.msk $0xffff, v11  }
0x3c: {  	v11 =	vld.idx.msk [tilespmem:v13+s3+$0x0], $0xffff  }
0x3d: {  	v12 =	vadd.s32 s15, v1  }
0x3e: {  	v13 =	vadd.s32 $0x2, v10;
	_ =	sdelay $0x3  }
0x3f: {  	[tilespmem:v12+s9+$0x0] =	vst.idx.msk $0xffff, v11  }
0x40: {  	v11 =	vld.idx.msk [tilespmem:v13+s3+$0x0], $0xffff  }
0x41: {  	v12 =	vadd.s32 s15, v2  }
0x42: {  	v13 =	vadd.s32 $0x3, v10;
	_ =	sdelay $0x3  }
0x43: {  	[tilespmem:v12+s9+$0x0] =	vst.idx.msk $0xffff, v11  }
0x44: {  	v11 =	vld.idx.msk [tilespmem:v13+s3+$0x0], $0xffff  }
0x45: {  	v12 =	vadd.s32 s15, v3  }
0x46: {  	v13 =	vadd.s32 $0x4, v10;
	_ =	sdelay $0x3  }
0x47: {  	[tilespmem:v12+s9+$0x0] =	vst.idx.msk $0xffff, v11  }
0x48: {  	v11 =	vld.idx.msk [tilespmem:v13+s3+$0x0], $0xffff  }
0x49: {  	v12 =	vadd.s32 s15, v4  }
0x4a: {  	v13 =	vadd.s32 $0x5, v10;
	_ =	sdelay $0x3  }
0x4b: {  	[tilespmem:v12+s9+$0x0] =	vst.idx.msk $0xffff, v11  }
0x4c: {  	v11 =	vld.idx.msk [tilespmem:v13+s3+$0x0], $0xffff  }
0x4d: {  	v12 =	vadd.s32 s15, v5  }
0x4e: {  	v13 =	vadd.s32 $0x6, v10;
	_ =	sdelay $0x3  }
0x4f: {  	[tilespmem:v12+s9+$0x0] =	vst.idx.msk $0xffff, v11  }
0x50: {  	v11 =	vld.idx.msk [tilespmem:v13+s3+$0x0], $0xffff  }
0x51: {  	v12 =	vadd.s32 s15, v6  }
0x52: {  	v13 =	vadd.s32 $0x7, v10;
	_ =	sdelay $0x3  }
0x53: {  	[tilespmem:v12+s9+$0x0] =	vst.idx.msk $0xffff, v11  }
0x54: {  	v11 =	vld.idx.msk [tilespmem:v13+s3+$0x0], $0xffff  }
0x55: {  	v12 =	vadd.s32 s15, v7  }
0x56: {  	v13 =	vadd.s32 $0x8, v10;
	_ =	sdelay $0x3  }
0x57: {  	[tilespmem:v12+s9+$0x0] =	vst.idx.msk $0xffff, v11  }
0x58: {  	v11 =	vld.idx.msk [tilespmem:v13+s3+$0x0], $0xffff  }
0x59: {  	v12 =	vadd.s32 s15, v8  }
0x5a: {  	v10 =	vadd.s32 $0x9, v10;
	_ =	sdelay $0x1  }
.Ltmp0:
0x5b: {  	(pc) =	sbr.rel @p0 .LBB2_3-.Ltmp0, $4  }
0x5c: {  	_ = 	snop  }
0x5d: {  	[tilespmem:v12+s9+$0x0] =	vst.idx.msk $0xffff, v11  }
0x5e: {  	v10 =	vld.idx.msk [tilespmem:v10+s3+$0x0], $0xffff  }
0x5f: {  	v11 =	vadd.s32 s15, v9  }
0x60: {  	_ = 	snop  }
0x61: {  	s12 =	smul.u32 $0xA, s12  }
0x62: {  	s11 =	sadd.s32 $0x1, s11  }
0x63: {  	p0 =	sne.s32 s11, $0x19;
	s12 =	sshrl.u32 s12, $0x3  }
.Ltmp1:
0x64: {  	[tilespmem:v11+s9+$0x0] =	vst.idx.msk $0xffff, v10;
	s12 =	sadd.s32 s1, s12;
	(pc) =	sbr.rel @p0 .LBB2_2-.Ltmp1, $4  }
0x65: {  	[hbm4b:s12+s3] =	stream.linear.scatter [tilespmem:s9], [sflag:$0x1], $0xA000, $0x38;
	[tilespmem:$0xB100] =	vst v63  }
0x66: {  	_ =	swait.ge [sflag:s8], $0xA000  }
0x67: {  	[sflag:s8] =	ssyncset.done $0x0  }
0x68: {  	[sflag:s8] =	ssyncadd.s32 $0xFFFF6000  }
0x69: {  	s10 =	sadd.s32 $0x1, s10  }
0x6a: {  	p0 =	sne.s32 s10, s7  }
.Ltmp2:
0x6b: {  	_ = 	snop;
	(pc) =	sbr.rel @p0 .LBB2_1-.Ltmp2, $1  }
0x6c: {  	_ =	sdelay $0x3  }
0x6d: {  	_ =	sfence.sel $0x180000  }
0x6e: {  	[bflag:$0x0] =	sbarrier.arrive $0xFFFF  }
0x6f: {  	p0 =	sne.s32 s2, $0x0;
	_ =	strace $0x90000047  }
0x70: {  	s0 =	sadd.s32 @!p0 $0x100000, s0;
	[bflag:$0x2] =	sbarrier.arrive $0xFFFF  }
0x71: {  	[sflag:s0] =	ssyncadd.tile.s32 @!p0 $0x1;
	_ =	shalt  }
.Lfunc_end2:
_tile_overlayer_lowered:
.L_overlay_start_2:
0x72: {  	(tag) =	ssettag $0x2  }
0x73: {  	s0 =	rddreg [dreg:$0x0];
	s2 =	stileid.u32  }
0x74: {  	s1 =	rddreg [dreg:$0x1];
	p0 =	sne.s32 s2, $0x0  }
0x75: {  	s3 =	rddreg [dreg:$0x2];
	[bflag:$0x3] =	sbarrier.arrive $0xFFFF;
	s2 =	simm.s32 @!p0 $0x1C01  }
0x76: {  	[timem:s3], [sflag:s2] =	dma.local @!p0 [hbm:s0], s1  }
0x77: {  	s0 =	simm.s32 @!p0 $0x1  }
0x78: {  	_ =	swait.ge @!p0 [sflag:s0], s1  }
0x79: {  	s1 =	ssub.s32 @!p0 $0x0, s1;
	[sflag:s0] =	ssyncset.done @!p0 $0x0  }
0x7a: {  	[sflag:s0] =	ssyncadd.s32 @!p0 s1  }
0x7b: {  	[bflag:$0x3] =	sbarrier.arrive $0xFFFF  }
0x7c: {  	_ =	shalt  }

// kernel: sparse-core-data-format-call.cloned.1.call-start
scs
called_computation_lowered:
.L_overlay_start_0:
0x0: {  	s2 =	sld [smem:$0x3FD9]  }
0x1: {  	s3 =	sld [smem:$0x3FFE];
	_ =	sdelay $0x1  }
0x2: {  	s1 =	srdreg.scid  }
0x3: {  	s0 =	sand.u32 $0x1, s1  }
0x4: {  	s18 =	sshll.u32 s0, $0xA;
	s2 =	sadd.s32 s3, s2  }
0x5: {  	s2 =	sadd.s32 s2, s18  }
0x6: {  	[smem:$0x3FC6] =	sst s2  }
0x7: {  	_ = 	snop  }
0x8: {  	s2 =	sld [smem:$0x3FD0];
	(tm) =	ssettm $0x1  }
0x9: {  	s19 =	sld [smem:$0x3FFB];
	_ =	sdelay $0x3  }
0xa: {  	_ =	strace s19  }
0xb: {  	s3 =	sld [smem:$0x3FFC];
	_ =	sdelay $0x3  }
0xc: {  	_ =	strace s3  }
0xd: {  	s3 =	sld [smem:$0x3FFD];
	_ =	sdelay $0x3  }
0xe: {  	_ =	strace s3  }
0xf: {  	_ =	strace $0x8FFFFFFF  }
0x10: {  	s20 =	sld [smem:$0x3FDB];
	_ =	sdelay $0x1  }
0x11: {  	s4 =	simm.s32 $_scs_section_size  }
0x12: {  	s5 =	simm.s32 $_size__tile_overlayer_lowered;
	s6 =	simm.s32 $_tile_overlayer_lowered  }
0x13: {  	s23 =	simm.s32 $0x1BFF;
	s22 =	sshll.u32 s6, $0x1;
	s3 =	sadd.s32 s4, s20  }
0x14: {  	s7 =	simm.s32 $0x0;
	s21 =	sshll.u32 s5, $0x1;
	s5 =	sadd.s32 s22, s3  }
0x15: {  	[timem:s7], [sflag:s23] =	dma.local [hbm:s5], s21  }
0x16: {  	_ =	swait.ge [sflag:s23], s21  }
0x17: {  	s4 =	ssub.s32 $0x0, s21;
	[sflag:s23] =	ssyncset.done $0x0  }
0x18: {  	[sflag:s23] =	ssyncadd.s32 s4;
	_ =	sdelay $0x1  }
0x19: {  	s24 =	simm.s32 $0x1B8B  }
0x1a: {  	_ =	swait.ge [sflag:s24], $0x1  }
0x1b: {  	[sflag:s24] =	ssyncset.done $0x0  }
0x1c: {  	s26 =	simm.s32 $0x1B8E;
	s25 =	sld [smem:$0x3FFE];
	[sflag:s24] =	ssyncadd.s32 $0xFFFFFFFF  }
0x1d: {  	s27 =	simm.s32 $execute0_lowered;
	[smem:$0x3FD2] =	sst s26  }
0x1e: {  	s5 =	sshll.u32 s27, $0x1;
	_ =	strace $0x80000049;
	[dreg:$0x1] =	wrdreg $0xFFFFFFFF  }
0x1f: {  	s28 =	simm.s32 $_size_execute0_lowered;
	s3 =	sadd.s32 s3, s5;
	[dreg:$0x0] =	wrdreg $0x0  }
0x20: {  	s5 =	sshll.u32 s28, $0x1;
	[dreg:$0x2] =	wrdreg s3  }
0x21: {  	[dreg:$0x3] =	wrdreg s5  }
0x22: {  	[dreg:$0x4] =	wrdreg $0xC0  }
0x23: {  	_ =	task [dreg:s7], $0x5FFFF  }
0x24: {  	[dreg:$0x1] =	wrdreg $0xFFFFFFFF  }
0x25: {  	[dreg:$0x0] =	wrdreg $0x60  }
0x26: {  	[dreg:$0x2] =	wrdreg s25  }
0x27: {  	[dreg:$0x3] =	wrdreg s2  }
0x28: {  	[dreg:$0x4] =	wrdreg $0x9  }
0x29: {  	_ =	task.clear_ibuf [dreg:s7], $0x5FFFF;
	_ =	strace $0x90000049  }
0x2a: {  	s29 =	simm.s32 $0x9;
	_ =	strace $0x8000004B  }
0x2b: {  	_ =	swait.ge [sflag:s29], $0x1  }
0x2c: {  	[sflag:s29] =	ssyncadd.s32 $0xFFFFFFFF  }
0x2d: {  	_ =	strace $0x9000004B  }
0x2e: {  	_ =	sfence  }
0x2f: {  	s30 =	sld [smem:$0x0];
	_ =	sdelay $0x2  }
0x30: {  	s31 =	sshll.u32 s1, $0xD;
	s1 =	sshrl.u32 s1, $0x2  }
0x31: {  	s3 =	sand.u32 $0x4000, s31;
	s1 =	sadd.s32 s1, s30  }
0x32: {  	s0 =	sor.u32 s3, s0;
	s1 =	sshll.u32 s1, $0x11  }
0x33: {  	s0 =	sor.u32 s1, s0  }
0x34: {  	s0 =	sadd.s32 $0x8F2B, s0  }
0x35: {  	[sflag:s0] =	ssyncadd.remote.s32 $0x1  }
0x36: {  	_ =	sfence.sel $0xFFFF  }
0x37: {  	[dreg:$0x0] =	wrdreg $0xFFFFFFFF;
	(pc) =	sbr.abs _section_cstart, $3  }
0x38: {  	[dreg:$0x1] =	wrdreg $0xFFFFFFFF  }
0x39: {  	_ =	task.clear_ibuf [dreg:s7], $0x2FFFF;
	_ =	strace $0x9FFFFFFF  }
0x3a: {  	(tm) =	ssettm $0x7FFFFFFF  }
0x3b: {  	_ =	shalt  }
tec
execute0_lowered:
.L_overlay_start_1:
0x0: {  	(tag) =	ssettag $0x1  }
0x1: {  	s0 =	srdreg.scid  }
0x2: {  	s1 =	sshll.u32 s0, $0x4  }
0x3: {  	s6 =	rddreg [dreg:$0x0];
	s0 =	stileid.u32;
	s1 =	sand.u32 $0x10, s1  }
0x4: {  	s3 =	rddreg [dreg:$0x1];
	s1 =	sor.u32 s0, s1  }
0x5: {  	s5 =	simm.s32 $0x1;
	s31 =	simm.s32 $0x2;
	s2 =	sshll.u32 s1, $0x7  }
0x6: {  	s15 =	simm.s32 $0x0;
	s8 =	simm.s32 $0x320000;
	s4 =	ssub.s32 $0x4000, s2  }
0x7: {  	s14 =	simm.s32 $0x0;
	s9 =	simm.s32 $0x0;
	s30 =	sand.u32 $0xF80, s4  }
0x8: {  	s10 =	simm.s32 $0x0;
	s11 =	simm.s32 $0x0;
	p0 =	sne.s32 s30, $0x0  }
.Ltmp0:
0x9: {  	s7 =	sshrl.u32 s4, $0xC;
	s5 =	simm.s32 @!p0 $0x0;
	(pc) =	sbr.rel .LBB1_1-.Ltmp0, $4  }
0xa: {  	s13 =	simm.s32 $0x0;
	s1 =	rddreg [dreg:$0x2];
	s5 =	sadd.s32 s5, s7  }
0xb: {  	_ =	strace $0x8000004A;
	s4 =	simm.s32 $0x1;
	s5 =	smul.u32 $0xC8, s5  }
0xc: {  	s6 =	sadd.s32 $0x800, s6;
	s12 =	smov.u32 s2;
	[sflag:s4] =	ssyncpa.u1 $0x0  }
0xd: {  	[sflag:s31] =	ssyncpa.u1 $0x0;
	p0 =	por $0x0, $0x0;
	s7 =	sor.u32 $0x1, s5  }
.LBB1_4:
0xe: {  	s18 =	sshll.u32 s9, $0xE;
	s19 =	sand.u32 $0x78, s10;
	s20 =	sshll.u32 s10, $0x3  }
0xf: {  	s22 =	sshll.u32 s9, $0x7;
	p1 =	sgt.s32 s9, $0xC7;
	s25 =	sshra.s32 s9, $0x1F  }
0x10: {  	s23 =	smov.u32 s10;
	s24 =	sshra.s32 s10, $0x1F;
	s29 =	sand.u32 $0x7, s10  }
0x11: {  	s18 =	sand.u32 $0xFFFE0000, s18;
	s21 =	sand.u32 $0xFFFFFC00, s20;
	s20 =	sand.u32 $0x3C00, s20  }
0x12: {  	s30 =	sand.u32 $0x380, s22;
	s22 =	sand.u32 s25, s9;
	s18 =	sadd.s32 s21, s18  }
0x13: {  	s19 =	sor.u32 s19, s20;
	s20 =	smov.u32 s9;
	s18 =	sshrl.u32 s18, $0xE  }
0x14: {  	s20 =	simm.s32 @!p1 $0xC7;
	p1 =	sgt.s32 s10, $0x3F80;
	s31 =	smulhi.u32 $0x147AE15, s18  }
0x15: {  	s26 =	sand.u32 s24, s10;
	s20 =	ssub.s32 s20, s22;
	s23 =	simm.s32 @!p1 $0x3F80  }
0x16: {  	s27 =	ssub.s32 $0xC8, s20;
	s22 =	ssub.s32 s23, s26;
	s21 =	smul.u32 $0xC8, s31  }
0x17: {  	s20 =	sadd.s32 $0xFFFFFF39, s20;
	s23 =	smul.u32 $0xA, s27;
	s28 =	sadd.s32 $0xFFFFC080, s22  }
0x18: {  	p1 =	sgt.s32 s20, $0x0;
	s20 =	ssub.s32 $0x4000, s22;
	p2 =	sgt.s32 s28, $0x7F  }
0x19: {  	s19 =	sor.u32 s30, s19;
	s23 =	simm.s32 @p1 $0x0;
	s20 =	simm.s32 @p2 $0x0  }
0x1a: {  	s19 =	sshrl.u32 s19, $0x3;
	s18 =	ssub.s32 s18, s21;
	s20 =	smul.u32 s20, s23  }
0x1b: {  	s19 =	sadd.s32 s3, s19;
	s21 =	sshll.u32 s29, $0x12;
	s18 =	sshll.u32 s18, $0xB  }
0x1c: {  	[tilespmem:s17+$0x0 ss:$0x81] =	vst.msk $0xffff, v0;
	s31 =	sor.u32 $0x80, s21;
	s18 =	sadd.s32 s18, s19;
	s30 =	sand.u32 $0x3FFFFFFE, s20  }
0x1d: {  	[hbm4b:s18+s31] =	stream.strided.scatter [tilespmem:s16], [sflag:$0x2], s30, s8, s31, $0x20;
	[tilespmem:$0x2020] =	vst v63  }
.LBB1_5:
0x1e: {  	p1 =	slt.u32 s13, $0x2  }
0x1f: {  	s17 =	smov.u32 s15;
	p2 =	sgt.s32 @!p1 s15, $0xC7;
	s16 =	sshra.s32 @!p1 s15, $0x1F  }
0x20: {  	p3 =	sgt.s32 @!p1 s14, $0x3F80;
	s18 =	sshra.s32 @!p1 s14, $0x1F;
	p2 =	por !p2, p1  }
0x21: {  	s15 =	sand.u32 @!p1 s16, s15;
	p3 =	por !p3, p1;
	s16 =	smov.u32 s14  }
0x22: {  	s14 =	sand.u32 @!p1 s18, s14;
	s17 =	simm.s32 @p2 $0xC7;
	s16 =	simm.s32 @p3 $0x3F80  }
0x23: {  	s18 =	smov.u32 s12;
	s15 =	ssub.s32 @!p1 s17, s15;
	s14 =	ssub.s32 @!p1 s16, s14  }
0x24: {  	s16 =	sadd.s32 @!p1 $0xFFFFFF39, s15;
	s15 =	ssub.s32 @!p1 $0xC8, s15;
	s17 =	sadd.s32 @!p1 $0xFFFFC080, s14  }
0x25: {  	p2 =	sgt.s32 @!p1 s16, $0x0;
	s15 =	smul.u32 @!p1 $0xA, s15;
	p3 =	sgt.s32 @!p1 s17, $0x7F  }
0x26: {  	s14 =	ssub.s32 @!p1 $0x4000, s14;
	p2 =	por !p2, p1;
	p3 =	por !p3, p1  }
0x27: {  	s16 =	sadd.s32 $0x1, s11;
	s15 =	simm.s32 @!p2 $0x0;
	s14 =	simm.s32 @!p3 $0x0  }
0x28: {  	p2 =	sgt.s32 s16, $0xC7;
	s14 =	smul.u32 @!p1 s14, s15;
	s15 =	sadd.s32 $0x1000, s12  }
0x29: {  	s18 =	smov.u32 @p2 s15  }
0x2a: {  	s16 =	simm.s32 @p2 $0x0;
	p2 =	sgt.s32 s18, $0x3FFF  }
0x2b: {  	s18 =	smov.u32 @p2 s2;
	p2 =	sne.s32 s13, s7  }
.Ltmp1:
0x2c: {  	p0 =	por !p0, !p0;
	s17 =	simm.s32 @!p1 $0x2;
	(pc) =	sbr.rel @!p2 .LBB1_6-.Ltmp1, $4  }
0x2d: {  	s15 =	smov.u32 s9;
	s9 =	smov.u32 s11;
	s14 =	sand.u32 @!p1 $0x3FFFFFFE, s14  }
0x2e: {  	s11 =	smov.u32 s16;
	_ =	swait.ge @!p1 [sflag:s17], s14;
	s19 =	ssub.s32 @!p1 $0x0, s14  }
0x2f: {  	s14 =	smov.u32 s10;
	s13 =	sadd.s32 $0x1, s13;
	[sflag:s17] =	ssyncset.done @!p1 $0x0  }
0x30: {  	s10 =	smov.u32 s12;
	s12 =	smov.u32 s18;
	[sflag:s17] =	ssyncadd.s32 @!p1 s19  }
.LBB1_1:
0x31: {  	p1 =	sge.u32 s13, s5  }
0x32: {  	s16 =	sand.u32 @!p1 $0x1FFFFFF, s11  }
0x33: {  	s17 =	smulhi.u32 @!p1 $0x147AE15, s16;
	_ =	sdelay $0x1  }
0x34: {  	s17 =	smul.u32 @!p1 $0xC8, s17  }
0x35: {  	s18 =	sxor.u32 @!p1 $0xFFFFFFFF, s13;
	s19 =	smul.u32 @!p1 $0xC80, s12  }
0x36: {  	s31 =	sadd.s32 $0xFFFFFFFF, s13;
	s18 =	sshll.u32 @!p1 s18, $0xB;
	s16 =	ssub.s32 @!p1 s16, s17  }
0x37: {  	s17 =	sand.u32 @!p1 $0x800, s18;
	s18 =	sadd.s32 @!p1 s6, s19;
	s16 =	sshll.u32 @!p1 s16, $0x4  }
0x38: {  	s19 =	simm.s32 @!p1 $0x6400;
	s16 =	sadd.s32 @!p1 s16, s18;
	s18 =	simm.s32 @!p1 $0x10  }
0x39: {  	[tilespmem:s17], [sflag:$0x1] =	stream.strided.gather @!p1 [hbm4b:s16+s18], $0x800, s19, s18, $0x38;
	[tilespmem:$0x2020] =	vst v63  }
0x3a: {  	p1 =	sge.u32 s31, s5  }
.Ltmp2:
0x3b: {  	_ = 	snop;
	(pc) =	sbr.rel @p1 .LBB1_5-.Ltmp2, $1  }
0x3c: {  	_ =	sdelay $0x3  }
0x3d: {  	s16 =	simm.s32 $0x1  }
0x3e: {  	s16 =	simm.s32 @!p0 $0x0  }
0x3f: {  	s17 =	sshll.u32 s16, $0xB  }
0x40: {  	v1 =	vmov s17;
	_ =	sdelay $0x1  }
0x41: {  	_ =	swait.ge [sflag:s4], $0x800  }
0x42: {  	s31 =	sand.u32 $0x1, s13;
	[sflag:s4] =	ssyncset.done $0x0  }
0x43: {  	s19 =	simm.s32 $0x0;
	s16 =	smul.u32 $0x2040, s16;
	[sflag:s4] =	ssyncadd.s32 $0xFFFFF800  }
0x44: {  	s17 =	smul.u32 $0x2040, s31;
	v0 =	vld.idx.msk [tilespmem:v1+s19+$0x0 ss:$0x1], $0xffff;
	_ =	sdelay $0x1  }
0x45: {  	s16 =	sshrl.u32 s16, $0x2;
	s18 =	sshrl.u32 s17, $0x2  }
0x46: {  	s17 =	sor.u32 $0x1000, s16;
	s16 =	sor.u32 $0x1000, s18;
	s18 =	simm.s32 $0x40  }
.LBB1_3:
0x47: {  	s19 =	sshra.s32 s18, $0x2;
	p1 =	sne.s32 s18, $0x1FC0;
	s18 =	sadd.s32 $0x40, s18  }
.Ltmp3:
0x48: {  	[tilespmem:s17+$0x0 ss:$0x81] =	vst.msk $0xffff, v0;
	v0 =	vld.idx.msk [tilespmem:v1+s19+$0x0 ss:$0x1], $0xffff;
	(pc) =	sbr.rel @p1 .LBB1_3-.Ltmp3, $2  }
0x49: {  	_ =	sdelay $0x2  }
0x4a: {  	s17 =	sadd.s32 $0x1, s17  }
.Ltmp4:
0x4b: {  	_ = 	snop;
	(pc) =	sbr.rel .LBB1_4-.Ltmp4, $1  }
0x4c: {  	_ =	sdelay $0x3  }
.LBB1_6:
0x4d: {  	_ =	sfence.sel $0x180000  }
0x4e: {  	s2 =	simm.s32 $0x1;
	[bflag:$0x0] =	sbarrier.arrive $0xFFFF  }
0x4f: {  	s31 =	simm.s32 $0x2;
	[sflag:s2] =	ssyncpa.u1 $0x1  }
0x50: {  	[sflag:s31] =	ssyncpa.u1 $0x1  }
0x51: {  	p0 =	sne.s32 s0, $0x0;
	_ =	strace $0x9000004A  }
0x52: {  	s0 =	sadd.s32 @!p0 $0x100000, s1;
	[bflag:$0x2] =	sbarrier.arrive $0xFFFF  }
0x53: {  	[sflag:s0] =	ssyncadd.tile.s32 @!p0 $0x1;
	_ =	shalt  }
.Lfunc_end1:
_tile_overlayer_lowered:
.L_overlay_start_2:
0x54: {  	(tag) =	ssettag $0x2  }
0x55: {  	s0 =	rddreg [dreg:$0x0];
	s2 =	stileid.u32  }
0x56: {  	s1 =	rddreg [dreg:$0x1];
	p0 =	sne.s32 s2, $0x0  }
0x57: {  	s3 =	rddreg [dreg:$0x2];
	[bflag:$0x3] =	sbarrier.arrive $0xFFFF;
	s2 =	simm.s32 @!p0 $0x1C01  }
0x58: {  	[timem:s3], [sflag:s2] =	dma.local @!p0 [hbm:s0], s1  }
0x59: {  	s0 =	simm.s32 @!p0 $0x1  }
0x5a: {  	_ =	swait.ge @!p0 [sflag:s0], s1  }
0x5b: {  	s1 =	ssub.s32 @!p0 $0x0, s1;
	[sflag:s0] =	ssyncset.done @!p0 $0x0  }
0x5c: {  	[sflag:s0] =	ssyncadd.s32 @!p0 s1  }
0x5d: {  	[bflag:$0x3] =	sbarrier.arrive $0xFFFF  }
0x5e: {  	_ =	shalt  }

</sc_bundles>
